<compile_context>
chip_gen: v7x
topology: tpu7x:2x2x1
jax: 0.10.2.dev20260603
libtpu: 0.0.44.dev20260713+nightly
codegen_flags: <defaults>
</compile_context>

<pallas_src>
import functools

import jax
import jax.numpy as jnp
from jax import lax
from jax.experimental import pallas as pl
from jax.experimental.pallas import tpu as pltpu
from jax.experimental.pallas import tpu_sc as plsc

N = 10000
E = 320000
D = 128
NC = 2
NS = 16
NW = NC * NS

CH = 40
EPT = E // NW
NCH = EPT // CH
ZCH = 40
ZNCH = N // ZCH
ZPT = -(-ZNCH // NS)

ECH = 80
ENCH = N // ECH

_SC_MESH = plsc.VectorSubcoreMesh(core_axis_name="c", subcore_axis_name="s")


def _emb_body(emb_hbm, x_hbm, out_hbm, idx_v, rows_v, sem):
    c = lax.axis_index("c")
    s = lax.axis_index("s")
    wid = c * NS + s
    for i in range(4):
        cid = wid + i * NW

        @pl.when(cid < ENCH)
        def _():
            base = cid * ECH
            pltpu.sync_copy(x_hbm.at[pl.ds(base, ECH)], idx_v)
            pltpu.async_copy(emb_hbm.at[idx_v], rows_v, sem).wait()
            pltpu.sync_copy(rows_v, out_hbm.at[pl.ds(base, ECH)])


@jax.jit
def _emb_gather(emb, x):
    return pl.kernel(
        _emb_body,
        out_type=jax.ShapeDtypeStruct((N, D), jnp.float32),
        mesh=_SC_MESH,
        scratch_types=[
            pltpu.VMEM((ECH,), jnp.int32),
            pltpu.VMEM((ECH, D), jnp.float32),
            pltpu.SemaphoreType.DMA,
        ],
    )(emb, x)


def _edge_body(k_hbm, q_hbm, v_hbm, src_hbm, dst_hbm, part_hbm,
               sh_agg,
               ixs0, ixd0, ixs1, ixd1, ixs2, ixd2, ixs3, ixd3,
               kd0, qs0, vs0, kd1, qs1, vs1, m0, m1,
               rsem0, rsem1, isem0, isem1, isem2, isem3, ssem0, ssem1):
    c = lax.axis_index("c")
    s = lax.axis_index("s")
    wid = c * NS + s
    ebase = wid * EPT

    idx_s = (ixs0, ixs1, ixs2, ixs3)
    idx_d = (ixd0, ixd1, ixd2, ixd3)
    kd = (kd0, kd1)
    qs = (qs0, qs1)
    vs = (vs0, vs1)
    m = (m0, m1)
    rsems = (rsem0, rsem1)
    isems = (isem0, isem1, isem2, isem3)
    ssems = (ssem0, ssem1)

    zero16 = jnp.zeros((16,), jnp.float32)

    def zfill(r, carry):
        for j in range(D // 16):
            m0[r, pl.ds(j * 16, 16)] = zero16
        return carry

    lax.fori_loop(0, ZCH, zfill, 0)
    for z in range(ZPT):
        cid = s + z * NS

        @pl.when(cid < ZNCH)
        def _():
            pltpu.sync_copy(m0, sh_agg.at[pl.ds(cid * ZCH, ZCH)])

    plsc.subcore_barrier()

    def fetch_idx(ci, isl):
        base = ebase + ci * CH
        pltpu.async_copy(src_hbm.at[pl.ds(base, CH)], idx_s[isl], isems[isl])
        pltpu.async_copy(dst_hbm.at[pl.ds(base, CH)], idx_d[isl], isems[isl])

    def wait_idx(isl):
        pltpu.make_async_copy(src_hbm.at[pl.ds(0, CH)], idx_s[isl],
                              isems[isl]).wait()
        pltpu.make_async_copy(dst_hbm.at[pl.ds(0, CH)], idx_d[isl],
                              isems[isl]).wait()

    def fetch_rows(isl, rsl):
        pltpu.async_copy(k_hbm.at[idx_d[isl]], kd[rsl], rsems[rsl])
        pltpu.async_copy(q_hbm.at[idx_s[isl]], qs[rsl], rsems[rsl])
        pltpu.async_copy(v_hbm.at[idx_s[isl]], vs[rsl], rsems[rsl])

    def wait_scatter(rsl):
        pltpu.make_async_copy(m[rsl], sh_agg.at[idx_d[0]], ssems[rsl]).wait()

    def consume(isl, rsl):
        pltpu.make_async_copy(k_hbm.at[idx_d[isl]], kd[rsl], rsems[rsl]).wait()
        pltpu.make_async_copy(q_hbm.at[idx_s[isl]], qs[rsl], rsems[rsl]).wait()
        pltpu.make_async_copy(v_hbm.at[idx_s[isl]], vs[rsl], rsems[rsl]).wait()

        @plsc.parallel_loop(0, CH)
        def edge_body(e):
            for j in range(D // 16):
                sl = pl.ds(j * 16, 16)
                x = kd[rsl][e, sl] + qs[rsl][e, sl]
                eta = 1.0 / (1.0 + jnp.exp(-x))
                m[rsl][e, sl] = eta * vs[rsl][e, sl]

        pltpu.async_copy(m[rsl], sh_agg.at[idx_d[isl]], ssems[rsl], add=True)

    fetch_idx(0, 0)
    wait_idx(0)
    fetch_rows(0, 0)
    fetch_idx(1, 1)

    def outer4(t, carry):
        ci = t * 4
        wait_idx(1)
        fetch_rows(1, 1)

        @pl.when(t > 0)
        def _():
            wait_scatter(0)

        fetch_idx(ci + 2, 2)
        consume(0, 0)
        wait_idx(2)
        fetch_rows(2, 0)

        @pl.when(t > 0)
        def _():
            wait_scatter(1)

        fetch_idx(ci + 3, 3)
        consume(1, 1)
        wait_idx(3)
        fetch_rows(3, 1)
        wait_scatter(0)
        fetch_idx(ci + 4, 0)
        consume(2, 0)
        wait_idx(0)
        fetch_rows(0, 0)
        wait_scatter(1)
        fetch_idx(ci + 5, 1)
        consume(3, 1)
        return carry

    lax.fori_loop(0, (NCH - 2) // 4, outer4, 0)

    wait_idx(1)
    fetch_rows(1, 1)
    wait_scatter(0)
    consume(0, 0)
    wait_scatter(1)
    consume(1, 1)
    wait_scatter(0)
    wait_scatter(1)
    plsc.subcore_barrier()

    for z in range(ZPT):
        cid = s + z * NS

        @pl.when(cid < ZNCH)
        def _():
            row0 = cid * ZCH
            pltpu.sync_copy(sh_agg.at[pl.ds(row0, ZCH)], m0)
            pltpu.sync_copy(m0, part_hbm.at[c, pl.ds(row0, ZCH)])


@jax.jit
def _edge_stage(k, q, v, src, dst):
    return pl.kernel(
        _edge_body,
        out_type=jax.ShapeDtypeStruct((NC, N, D), jnp.float32),
        mesh=_SC_MESH,
        scratch_types=[
            pltpu.VMEM_SHARED((N, D), jnp.float32),
            pltpu.VMEM((CH,), jnp.int32),
            pltpu.VMEM((CH,), jnp.int32),
            pltpu.VMEM((CH,), jnp.int32),
            pltpu.VMEM((CH,), jnp.int32),
            pltpu.VMEM((CH,), jnp.int32),
            pltpu.VMEM((CH,), jnp.int32),
            pltpu.VMEM((CH,), jnp.int32),
            pltpu.VMEM((CH,), jnp.int32),
            pltpu.VMEM((CH, D), jnp.float32),
            pltpu.VMEM((CH, D), jnp.float32),
            pltpu.VMEM((CH, D), jnp.float32),
            pltpu.VMEM((CH, D), jnp.float32),
            pltpu.VMEM((CH, D), jnp.float32),
            pltpu.VMEM((CH, D), jnp.float32),
            pltpu.VMEM((CH, D), jnp.float32),
            pltpu.VMEM((CH, D), jnp.float32),
            pltpu.SemaphoreType.DMA,
            pltpu.SemaphoreType.DMA,
            pltpu.SemaphoreType.DMA,
            pltpu.SemaphoreType.DMA,
            pltpu.SemaphoreType.DMA,
            pltpu.SemaphoreType.DMA,
            pltpu.SemaphoreType.DMA,
            pltpu.SemaphoreType.DMA,
        ],
    )(k, q, v, src, dst)


BLK = 400
NBLK = N // BLK


def _mm4_kernel(h_ref, wk, wq, wv, ws, bk, bq, bv, k_o, q_o, v_o, s_o):
    h = h_ref[...]
    k_o[...] = jnp.dot(h, wk[...], preferred_element_type=jnp.float32) + bk[...]
    q_o[...] = jnp.dot(h, wq[...], preferred_element_type=jnp.float32) + bq[...]
    v_o[...] = jnp.dot(h, wv[...], preferred_element_type=jnp.float32) + bv[...]
    s_o[...] = jnp.dot(h, ws[...], preferred_element_type=jnp.float32)


def _mm4_bn_kernel(t_ref, mu, var, ga, be, wk, wq, wv, ws, bk, bq, bv,
                   k_o, q_o, v_o, s_o):
    t = t_ref[...]
    h = (t - mu[...]) * jax.lax.rsqrt(var[...] + 1e-5) * ga[...] + be[...]
    h = jnp.maximum(h, 0.0)
    k_o[...] = jnp.dot(h, wk[...], preferred_element_type=jnp.float32) + bk[...]
    q_o[...] = jnp.dot(h, wq[...], preferred_element_type=jnp.float32) + bq[...]
    v_o[...] = jnp.dot(h, wv[...], preferred_element_type=jnp.float32) + bv[...]
    s_o[...] = jnp.dot(h, ws[...], preferred_element_type=jnp.float32)


_row_spec = pl.BlockSpec((BLK, D), lambda i: (i, 0))
_w_spec = pl.BlockSpec((D, D), lambda i: (0, 0))
_b_spec = pl.BlockSpec((1, D), lambda i: (0, 0))
_out4 = [jax.ShapeDtypeStruct((N, D), jnp.float32)] * 4


@jax.jit
def _mm4(h, wk, wq, wv, ws, bk, bq, bv):
    return pl.pallas_call(
        _mm4_kernel,
        grid=(NBLK,),
        in_specs=[_row_spec, _w_spec, _w_spec, _w_spec, _w_spec,
                  _b_spec, _b_spec, _b_spec],
        out_specs=[_row_spec] * 4,
        out_shape=_out4,
    )(h, wk, wq, wv, ws, bk, bq, bv)


@jax.jit
def _mm4_bn(t, mu, var, ga, be, wk, wq, wv, ws, bk, bq, bv):
    return pl.pallas_call(
        _mm4_bn_kernel,
        grid=(NBLK,),
        in_specs=[_row_spec, _b_spec, _b_spec, _b_spec, _b_spec,
                  _w_spec, _w_spec, _w_spec, _w_spec,
                  _b_spec, _b_spec, _b_spec],
        out_specs=[_row_spec] * 4,
        out_shape=_out4,
    )(t, mu, var, ga, be, wk, wq, wv, ws, bk, bq, bv)


def _combine_stats(j, i, p_ref, s_ref, bc, t_all, acc):
    t = p_ref[0] + p_ref[1] + s_ref[...] + bc[...]
    t_all[pl.ds(i * BLK, BLK), :] = t
    psum = jnp.sum(t, axis=0, keepdims=True)
    psq = jnp.sum(t * t, axis=0, keepdims=True)

    @pl.when(i == 0)
    def _():
        acc[0:1] = psum
        acc[1:2] = psq

    @pl.when(i > 0)
    def _():
        acc[0:1] += psum
        acc[1:2] += psq


def _bn_from(t_all, acc, i, ga, be):
    mu = acc[0:1] / N
    var = acc[1:2] / N - mu * mu
    t = t_all[pl.ds(i * BLK, BLK), :]
    h = (t - mu) * jax.lax.rsqrt(var + 1e-5) * ga[...] + be[...]
    return jnp.maximum(h, 0.0)


def _comb_mm4_kernel(p_ref, s_ref, bc, ga, be, wk, wq, wv, ws, bk, bq, bv,
                     k_o, q_o, v_o, s_o, t_all, acc):
    j = pl.program_id(0)
    i = pl.program_id(1)

    @pl.when(j == 0)
    def _():
        _combine_stats(j, i, p_ref, s_ref, bc, t_all, acc)

    @pl.when(j == 1)
    def _():
        h = _bn_from(t_all, acc, i, ga, be)
        k_o[...] = jnp.dot(h, wk[...], preferred_element_type=jnp.float32) + bk[...]
        q_o[...] = jnp.dot(h, wq[...], preferred_element_type=jnp.float32) + bq[...]
        v_o[...] = jnp.dot(h, wv[...], preferred_element_type=jnp.float32) + bv[...]
        s_o[...] = jnp.dot(h, ws[...], preferred_element_type=jnp.float32)


_pj_spec = pl.BlockSpec((NC, BLK, D), lambda j, i: (0, i * (1 - j), 0))
_rowj_spec = pl.BlockSpec((BLK, D), lambda j, i: (i * (1 - j), 0))
_rowo_spec = pl.BlockSpec((BLK, D), lambda j, i: (i, 0))
_wj_spec = pl.BlockSpec((D, D), lambda j, i: (0, 0))
_bj_spec = pl.BlockSpec((1, D), lambda j, i: (0, 0))


@jax.jit
def _comb_mm4(part, s, bc, ga, be, wk, wq, wv, ws, bk, bq, bv):
    return pl.pallas_call(
        _comb_mm4_kernel,
        grid=(2, NBLK),
        in_specs=[_pj_spec, _rowj_spec, _bj_spec, _bj_spec, _bj_spec,
                  _wj_spec, _wj_spec, _wj_spec, _wj_spec,
                  _bj_spec, _bj_spec, _bj_spec],
        out_specs=[_rowo_spec] * 4,
        out_shape=_out4,
        scratch_shapes=[pltpu.VMEM((N, D), jnp.float32),
                        pltpu.VMEM((2, D), jnp.float32)],
    )(part, s, bc, ga, be, wk, wq, wv, ws, bk, bq, bv)


def _comb_fc_kernel(p_ref, s_ref, bc, ga, be, fw, fb, out_o, t_all, acc):
    j = pl.program_id(0)
    i = pl.program_id(1)

    @pl.when(j == 0)
    def _():
        _combine_stats(j, i, p_ref, s_ref, bc, t_all, acc)

    @pl.when(j == 1)
    def _():
        h = _bn_from(t_all, acc, i, ga, be)
        out_o[...] = jnp.dot(h, fw[...], preferred_element_type=jnp.float32) + fb[...]


@jax.jit
def _comb_fc(part, s, bc, ga, be, fw, fb):
    return pl.pallas_call(
        _comb_fc_kernel,
        grid=(2, NBLK),
        in_specs=[_pj_spec, _rowj_spec, _bj_spec, _bj_spec, _bj_spec,
                  _wj_spec, _bj_spec],
        out_specs=_rowo_spec,
        out_shape=jax.ShapeDtypeStruct((N, D), jnp.float32),
        scratch_shapes=[pltpu.VMEM((N, D), jnp.float32),
                        pltpu.VMEM((2, D), jnp.float32)],
    )(part, s, bc, ga, be, fw, fb)


def kernel(x, edge_index, emb, Wk, bk, Wq, bq, Wv, bv, Ws, bconv, gamma, beta,
           fcW, fcb):
    x = x.astype(jnp.int32)
    src = edge_index[0].astype(jnp.int32)
    dst = edge_index[1].astype(jnp.int32)
    r = lambda b: b.reshape(1, D)

    h0 = _emb_gather(emb, x)
    k1, q1, v1, s1 = _mm4(h0, Wk[0], Wq[0], Wv[0], Ws[0],
                          r(bk[0]), r(bq[0]), r(bv[0]))
    p1 = _edge_stage(k1, q1, v1, src, dst)
    k2, q2, v2, s2 = _comb_mm4(p1, s1, r(bconv[0]), r(gamma[0]), r(beta[0]),
                               Wk[1], Wq[1], Wv[1], Ws[1],
                               r(bk[1]), r(bq[1]), r(bv[1]))
    p2 = _edge_stage(k2, q2, v2, src, dst)
    return _comb_fc(p2, s2, r(bconv[1]), r(gamma[1]), r(beta[1]),
                    fcW, r(fcb))

# --- scband reference (transcript-rebuilt; emitter-appended) ---
"""Pipeline reference for scband-rggconv-model-68092411511559 (READ-ONLY COPY).

The authoritative reference and input builder live on the scoring server;
editing this copy changes nothing except your own understanding.
"""

import jax, jax.numpy as jnp
import numpy as np

N = 10000
E = 320000
D = 128
VOCAB = 10000
L = 2


def setup_inputs(seed: int = 0) -> dict:
    key = jax.random.key(seed)
    ks = jax.random.split(key, 20)
    inp = {}
    inp["x"] = jax.random.randint(ks[0], (N,), 0, VOCAB)
    inp["edge_index"] = jax.random.randint(ks[1], (2, E), 0, N)
    inp["emb"] = jax.random.normal(ks[2], (VOCAB, D), dtype=jnp.float32) * 0.1
    def mk(k, shape, s=0.05):
        return jax.random.normal(k, shape, dtype=jnp.float32) * s
    inp["Wk"] = mk(ks[3], (L, D, D))
    inp["bk"] = jnp.zeros((L, D), jnp.float32)
    inp["Wq"] = mk(ks[4], (L, D, D))
    inp["bq"] = jnp.zeros((L, D), jnp.float32)
    inp["Wv"] = mk(ks[5], (L, D, D))
    inp["bv"] = jnp.zeros((L, D), jnp.float32)
    inp["Ws"] = mk(ks[6], (L, D, D))
    inp["bconv"] = jnp.zeros((L, D), jnp.float32)
    inp["gamma"] = jnp.ones((L, D), jnp.float32)
    inp["beta"] = jnp.zeros((L, D), jnp.float32)
    inp["fcW"] = mk(ks[7], (D, D))
    inp["fcb"] = jnp.zeros((D,), jnp.float32)
    return inp


def reference(x, edge_index, emb, Wk, bk, Wq, bq, Wv, bv, Ws, bconv, gamma, beta, fcW, fcb):
    # encoder: embedding lookup (gather)
    h = jnp.take(emb, x, axis=0)
    src = edge_index[0]
    dst = edge_index[1]
    for l in range(L):
        # ResGatedGraphConv: k on targets, q/v on sources
        k = h @ Wk[l] + bk[l]
        q = h @ Wq[l] + bq[l]
        v = h @ Wv[l] + bv[l]
        eta = jax.nn.sigmoid(jnp.take(k, dst, axis=0) + jnp.take(q, src, axis=0))
        m = eta * jnp.take(v, src, axis=0)
        agg = jax.ops.segment_sum(m, dst, num_segments=N)
        h = agg + h @ Ws[l] + bconv[l]
        # BatchNorm (training-mode batch statistics over nodes)
        mu = jnp.mean(h, axis=0)
        var = jnp.var(h, axis=0)
        h = (h - mu) / jnp.sqrt(var + 1e-5) * gamma[l] + beta[l]
        h = jax.nn.relu(h)
    return h @ fcW + fcb

if __name__ == "__main__":
    import jax
    _d = setup_inputs()
    print(jax.jit(kernel)(*tuple(_d.values())))

</pallas_src>

<mosaic_0001>
#map = affine_map<(d0, d1) -> (0, 0)>
#map1 = affine_map<(d0, d1) -> (0)>
module attributes {stable_mosaic.version = 14 : i64} {
  func.func @_emb_body(%arg0: i32, %arg1: i32, %arg2: memref<10000x128xf32, #tpu.memory_space<hbm>>, %arg3: memref<10000xi32, #tpu.memory_space<hbm>>, %arg4: memref<10000x128xf32, #tpu.memory_space<hbm>>, %arg5: memref<80xi32, #tpu.memory_space<vmem>>, %arg6: memref<80x128xf32, #tpu.memory_space<vmem>>, %arg7: memref<!tpu.dma_semaphore, #tpu.memory_space<semaphore_mem>>) attributes {dimension_semantics = [#tpu.dimension_semantics<core_parallel>, #tpu.dimension_semantics<subcore_parallel>], iteration_bounds = array<i64: 2, 16>, scalar_prefetch = 0 : i64, scratch_operands = 3 : i64, tpu.core_type = #tpu.core_type<sc_vector_subcore>, window_params = [{transform_indices = #map}, {transform_indices = #map1}, {transform_indices = #map}]} {
    %mul3A = arith.constant 16 : i32
    %mul3A_0 = arith.muli %arg0, %mul3A : i32
    %add3A = arith.addi %mul3A_0, %arg1 : i32
    %add3A_1 = arith.constant 0 : i32
    %add3A_2 = arith.addi %add3A, %add3A_1 : i32
    %lt3A = arith.constant 125 : i32
    %lt3A_3 = arith.cmpi slt, %add3A_2, %lt3A : i32
    %convert_element_type3A = arith.extui %lt3A_3 : i1 to i32
    %cond3A = arith.constant 0 : i32
    %cond3A_4 = arith.cmpi ne, %convert_element_type3A, %cond3A : i32
    scf.if %cond3A_4 {
      %mul3A_26 = arith.constant 80 : i32
      %mul3A_27 = arith.muli %add3A_2, %mul3A_26 : i32
      "tpu.region"() ({
        %run_scoped3A = tpu.sem_alloc : memref<!tpu.dma_semaphore, #tpu.memory_space<semaphore_mem>>
        %dma_start3A_32 = tpu.memref_slice %arg3[%mul3A_27] : memref<10000xi32, #tpu.memory_space<hbm>> -> memref<80xi32, #tpu.memory_space<hbm>>
        %dma_start3A_33 = tpu.memref_slice %arg3[%mul3A_27] : memref<10000xi32, #tpu.memory_space<hbm>> -> memref<80xi32, #tpu.memory_space<hbm>>
        tpu.enqueue_dma source(%dma_start3A_33 : memref<80xi32, #tpu.memory_space<hbm>>) target(%arg5 : memref<80xi32, #tpu.memory_space<vmem>>) target_semaphore(%run_scoped3A : memref<!tpu.dma_semaphore, #tpu.memory_space<semaphore_mem>>)
        %dma_wait3A_34 = tpu.memref_slice %arg3[%mul3A_27] : memref<10000xi32, #tpu.memory_space<hbm>> -> memref<80xi32, #tpu.memory_space<hbm>>
        %dma_wait3A_35 = tpu.memref_slice %arg3[%mul3A_27] : memref<10000xi32, #tpu.memory_space<hbm>> -> memref<80xi32, #tpu.memory_space<hbm>>
        tpu.wait_dma2 semaphore(%run_scoped3A : memref<!tpu.dma_semaphore, #tpu.memory_space<semaphore_mem>>) src(%dma_wait3A_35 : memref<80xi32, #tpu.memory_space<hbm>>) dst(%arg5 : memref<80xi32, #tpu.memory_space<vmem>>)
        tpu.yield
      }) : () -> ()
      %dma_start3A = arith.constant 0 : i32
      %dma_start3A_28 = arith.constant 0 : i32
      %dma_start3A_29 = tpu.memref_slice %arg2[%dma_start3A, %dma_start3A_28] : memref<10000x128xf32, #tpu.memory_space<hbm>> -> memref<10000x128xf32, #tpu.memory_space<hbm>>
      tpu.enqueue_indirect_dma source(%dma_start3A_29 : memref<10000x128xf32, #tpu.memory_space<hbm>>) target(%arg6 : memref<80x128xf32, #tpu.memory_space<vmem>>) offsets(%arg5 : memref<80xi32, #tpu.memory_space<vmem>>) semaphore(%arg7 : memref<!tpu.dma_semaphore, #tpu.memory_space<semaphore_mem>>)
      %dma_wait3A = arith.constant 0 : i32
      %dma_wait3A_30 = arith.constant 0 : i32
      %dma_wait3A_31 = tpu.memref_slice %arg2[%dma_wait3A, %dma_wait3A_30] : memref<10000x128xf32, #tpu.memory_space<hbm>> -> memref<10000x128xf32, #tpu.memory_space<hbm>>
      tpu.wait_indirect_dma semaphore(%arg7 : memref<!tpu.dma_semaphore, #tpu.memory_space<semaphore_mem>>) src(%dma_wait3A_31 : memref<10000x128xf32, #tpu.memory_space<hbm>>) dst(%arg6 : memref<80x128xf32, #tpu.memory_space<vmem>>)
      "tpu.region"() ({
        %run_scoped3A = tpu.sem_alloc : memref<!tpu.dma_semaphore, #tpu.memory_space<semaphore_mem>>
        %dma_start3A_32 = arith.constant 0 : i32
        %dma_start3A_33 = tpu.memref_slice %arg4[%mul3A_27, %dma_start3A_32] : memref<10000x128xf32, #tpu.memory_space<hbm>> -> memref<80x128xf32, #tpu.memory_space<hbm>>
        %dma_start3A_34 = arith.constant 0 : i32
        %dma_start3A_35 = tpu.memref_slice %arg4[%mul3A_27, %dma_start3A_34] : memref<10000x128xf32, #tpu.memory_space<hbm>> -> memref<80x128xf32, #tpu.memory_space<hbm>>
        tpu.enqueue_dma source(%arg6 : memref<80x128xf32, #tpu.memory_space<vmem>>) target(%dma_start3A_35 : memref<80x128xf32, #tpu.memory_space<hbm>>) target_semaphore(%run_scoped3A : memref<!tpu.dma_semaphore, #tpu.memory_space<semaphore_mem>>)
        %dma_wait3A_36 = arith.constant 0 : i32
        %dma_wait3A_37 = tpu.memref_slice %arg4[%mul3A_27, %dma_wait3A_36] : memref<10000x128xf32, #tpu.memory_space<hbm>> -> memref<80x128xf32, #tpu.memory_space<hbm>>
        %dma_wait3A_38 = arith.constant 0 : i32
        %dma_wait3A_39 = tpu.memref_slice %arg4[%mul3A_27, %dma_wait3A_38] : memref<10000x128xf32, #tpu.memory_space<hbm>> -> memref<80x128xf32, #tpu.memory_space<hbm>>
        tpu.wait_dma2 semaphore(%run_scoped3A : memref<!tpu.dma_semaphore, #tpu.memory_space<semaphore_mem>>) src(%arg6 : memref<80x128xf32, #tpu.memory_space<vmem>>) dst(%dma_wait3A_39 : memref<80x128xf32, #tpu.memory_space<hbm>>)
        tpu.yield
      }) : () -> ()
    } else {
    }
    %add3A_5 = arith.constant 32 : i32
    %add3A_6 = arith.addi %add3A, %add3A_5 : i32
    %lt3A_7 = arith.constant 125 : i32
    %lt3A_8 = arith.cmpi slt, %add3A_6, %lt3A_7 : i32
    %convert_element_type3A_9 = arith.extui %lt3A_8 : i1 to i32
    %cond3A_10 = arith.constant 0 : i32
    %cond3A_11 = arith.cmpi ne, %convert_element_type3A_9, %cond3A_10 : i32
    scf.if %cond3A_11 {
      %mul3A_26 = arith.constant 80 : i32
      %mul3A_27 = arith.muli %add3A_6, %mul3A_26 : i32
      "tpu.region"() ({
        %run_scoped3A = tpu.sem_alloc : memref<!tpu.dma_semaphore, #tpu.memory_space<semaphore_mem>>
        %dma_start3A_32 = tpu.memref_slice %arg3[%mul3A_27] : memref<10000xi32, #tpu.memory_space<hbm>> -> memref<80xi32, #tpu.memory_space<hbm>>
        %dma_start3A_33 = tpu.memref_slice %arg3[%mul3A_27] : memref<10000xi32, #tpu.memory_space<hbm>> -> memref<80xi32, #tpu.memory_space<hbm>>
        tpu.enqueue_dma source(%dma_start3A_33 : memref<80xi32, #tpu.memory_space<hbm>>) target(%arg5 : memref<80xi32, #tpu.memory_space<vmem>>) target_semaphore(%run_scoped3A : memref<!tpu.dma_semaphore, #tpu.memory_space<semaphore_mem>>)
        %dma_wait3A_34 = tpu.memref_slice %arg3[%mul3A_27] : memref<10000xi32, #tpu.memory_space<hbm>> -> memref<80xi32, #tpu.memory_space<hbm>>
        %dma_wait3A_35 = tpu.memref_slice %arg3[%mul3A_27] : memref<10000xi32, #tpu.memory_space<hbm>> -> memref<80xi32, #tpu.memory_space<hbm>>
        tpu.wait_dma2 semaphore(%run_scoped3A : memref<!tpu.dma_semaphore, #tpu.memory_space<semaphore_mem>>) src(%dma_wait3A_35 : memref<80xi32, #tpu.memory_space<hbm>>) dst(%arg5 : memref<80xi32, #tpu.memory_space<vmem>>)
        tpu.yield
      }) : () -> ()
      %dma_start3A = arith.constant 0 : i32
      %dma_start3A_28 = arith.constant 0 : i32
      %dma_start3A_29 = tpu.memref_slice %arg2[%dma_start3A, %dma_start3A_28] : memref<10000x128xf32, #tpu.memory_space<hbm>> -> memref<10000x128xf32, #tpu.memory_space<hbm>>
      tpu.enqueue_indirect_dma source(%dma_start3A_29 : memref<10000x128xf32, #tpu.memory_space<hbm>>) target(%arg6 : memref<80x128xf32, #tpu.memory_space<vmem>>) offsets(%arg5 : memref<80xi32, #tpu.memory_space<vmem>>) semaphore(%arg7 : memref<!tpu.dma_semaphore, #tpu.memory_space<semaphore_mem>>)
      %dma_wait3A = arith.constant 0 : i32
      %dma_wait3A_30 = arith.constant 0 : i32
      %dma_wait3A_31 = tpu.memref_slice %arg2[%dma_wait3A, %dma_wait3A_30] : memref<10000x128xf32, #tpu.memory_space<hbm>> -> memref<10000x128xf32, #tpu.memory_space<hbm>>
      tpu.wait_indirect_dma semaphore(%arg7 : memref<!tpu.dma_semaphore, #tpu.memory_space<semaphore_mem>>) src(%dma_wait3A_31 : memref<10000x128xf32, #tpu.memory_space<hbm>>) dst(%arg6 : memref<80x128xf32, #tpu.memory_space<vmem>>)
      "tpu.region"() ({
        %run_scoped3A = tpu.sem_alloc : memref<!tpu.dma_semaphore, #tpu.memory_space<semaphore_mem>>
        %dma_start3A_32 = arith.constant 0 : i32
        %dma_start3A_33 = tpu.memref_slice %arg4[%mul3A_27, %dma_start3A_32] : memref<10000x128xf32, #tpu.memory_space<hbm>> -> memref<80x128xf32, #tpu.memory_space<hbm>>
        %dma_start3A_34 = arith.constant 0 : i32
        %dma_start3A_35 = tpu.memref_slice %arg4[%mul3A_27, %dma_start3A_34] : memref<10000x128xf32, #tpu.memory_space<hbm>> -> memref<80x128xf32, #tpu.memory_space<hbm>>
        tpu.enqueue_dma source(%arg6 : memref<80x128xf32, #tpu.memory_space<vmem>>) target(%dma_start3A_35 : memref<80x128xf32, #tpu.memory_space<hbm>>) target_semaphore(%run_scoped3A : memref<!tpu.dma_semaphore, #tpu.memory_space<semaphore_mem>>)
        %dma_wait3A_36 = arith.constant 0 : i32
        %dma_wait3A_37 = tpu.memref_slice %arg4[%mul3A_27, %dma_wait3A_36] : memref<10000x128xf32, #tpu.memory_space<hbm>> -> memref<80x128xf32, #tpu.memory_space<hbm>>
        %dma_wait3A_38 = arith.constant 0 : i32
        %dma_wait3A_39 = tpu.memref_slice %arg4[%mul3A_27, %dma_wait3A_38] : memref<10000x128xf32, #tpu.memory_space<hbm>> -> memref<80x128xf32, #tpu.memory_space<hbm>>
        tpu.wait_dma2 semaphore(%run_scoped3A : memref<!tpu.dma_semaphore, #tpu.memory_space<semaphore_mem>>) src(%arg6 : memref<80x128xf32, #tpu.memory_space<vmem>>) dst(%dma_wait3A_39 : memref<80x128xf32, #tpu.memory_space<hbm>>)
        tpu.yield
      }) : () -> ()
    } else {
    }
    %add3A_12 = arith.constant 64 : i32
    %add3A_13 = arith.addi %add3A, %add3A_12 : i32
    %lt3A_14 = arith.constant 125 : i32
    %lt3A_15 = arith.cmpi slt, %add3A_13, %lt3A_14 : i32
    %convert_element_type3A_16 = arith.extui %lt3A_15 : i1 to i32
    %cond3A_17 = arith.constant 0 : i32
    %cond3A_18 = arith.cmpi ne, %convert_element_type3A_16, %cond3A_17 : i32
    scf.if %cond3A_18 {
      %mul3A_26 = arith.constant 80 : i32
      %mul3A_27 = arith.muli %add3A_13, %mul3A_26 : i32
      "tpu.region"() ({
        %run_scoped3A = tpu.sem_alloc : memref<!tpu.dma_semaphore, #tpu.memory_space<semaphore_mem>>
        %dma_start3A_32 = tpu.memref_slice %arg3[%mul3A_27] : memref<10000xi32, #tpu.memory_space<hbm>> -> memref<80xi32, #tpu.memory_space<hbm>>
        %dma_start3A_33 = tpu.memref_slice %arg3[%mul3A_27] : memref<10000xi32, #tpu.memory_space<hbm>> -> memref<80xi32, #tpu.memory_space<hbm>>
        tpu.enqueue_dma source(%dma_start3A_33 : memref<80xi32, #tpu.memory_space<hbm>>) target(%arg5 : memref<80xi32, #tpu.memory_space<vmem>>) target_semaphore(%run_scoped3A : memref<!tpu.dma_semaphore, #tpu.memory_space<semaphore_mem>>)
        %dma_wait3A_34 = tpu.memref_slice %arg3[%mul3A_27] : memref<10000xi32, #tpu.memory_space<hbm>> -> memref<80xi32, #tpu.memory_space<hbm>>
        %dma_wait3A_35 = tpu.memref_slice %arg3[%mul3A_27] : memref<10000xi32, #tpu.memory_space<hbm>> -> memref<80xi32, #tpu.memory_space<hbm>>
        tpu.wait_dma2 semaphore(%run_scoped3A : memref<!tpu.dma_semaphore, #tpu.memory_space<semaphore_mem>>) src(%dma_wait3A_35 : memref<80xi32, #tpu.memory_space<hbm>>) dst(%arg5 : memref<80xi32, #tpu.memory_space<vmem>>)
        tpu.yield
      }) : () -> ()
      %dma_start3A = arith.constant 0 : i32
      %dma_start3A_28 = arith.constant 0 : i32
      %dma_start3A_29 = tpu.memref_slice %arg2[%dma_start3A, %dma_start3A_28] : memref<10000x128xf32, #tpu.memory_space<hbm>> -> memref<10000x128xf32, #tpu.memory_space<hbm>>
      tpu.enqueue_indirect_dma source(%dma_start3A_29 : memref<10000x128xf32, #tpu.memory_space<hbm>>) target(%arg6 : memref<80x128xf32, #tpu.memory_space<vmem>>) offsets(%arg5 : memref<80xi32, #tpu.memory_space<vmem>>) semaphore(%arg7 : memref<!tpu.dma_semaphore, #tpu.memory_space<semaphore_mem>>)
      %dma_wait3A = arith.constant 0 : i32
      %dma_wait3A_30 = arith.constant 0 : i32
      %dma_wait3A_31 = tpu.memref_slice %arg2[%dma_wait3A, %dma_wait3A_30] : memref<10000x128xf32, #tpu.memory_space<hbm>> -> memref<10000x128xf32, #tpu.memory_space<hbm>>
      tpu.wait_indirect_dma semaphore(%arg7 : memref<!tpu.dma_semaphore, #tpu.memory_space<semaphore_mem>>) src(%dma_wait3A_31 : memref<10000x128xf32, #tpu.memory_space<hbm>>) dst(%arg6 : memref<80x128xf32, #tpu.memory_space<vmem>>)
      "tpu.region"() ({
        %run_scoped3A = tpu.sem_alloc : memref<!tpu.dma_semaphore, #tpu.memory_space<semaphore_mem>>
        %dma_start3A_32 = arith.constant 0 : i32
        %dma_start3A_33 = tpu.memref_slice %arg4[%mul3A_27, %dma_start3A_32] : memref<10000x128xf32, #tpu.memory_space<hbm>> -> memref<80x128xf32, #tpu.memory_space<hbm>>
        %dma_start3A_34 = arith.constant 0 : i32
        %dma_start3A_35 = tpu.memref_slice %arg4[%mul3A_27, %dma_start3A_34] : memref<10000x128xf32, #tpu.memory_space<hbm>> -> memref<80x128xf32, #tpu.memory_space<hbm>>
        tpu.enqueue_dma source(%arg6 : memref<80x128xf32, #tpu.memory_space<vmem>>) target(%dma_start3A_35 : memref<80x128xf32, #tpu.memory_space<hbm>>) target_semaphore(%run_scoped3A : memref<!tpu.dma_semaphore, #tpu.memory_space<semaphore_mem>>)
        %dma_wait3A_36 = arith.constant 0 : i32
        %dma_wait3A_37 = tpu.memref_slice %arg4[%mul3A_27, %dma_wait3A_36] : memref<10000x128xf32, #tpu.memory_space<hbm>> -> memref<80x128xf32, #tpu.memory_space<hbm>>
        %dma_wait3A_38 = arith.constant 0 : i32
        %dma_wait3A_39 = tpu.memref_slice %arg4[%mul3A_27, %dma_wait3A_38] : memref<10000x128xf32, #tpu.memory_space<hbm>> -> memref<80x128xf32, #tpu.memory_space<hbm>>
        tpu.wait_dma2 semaphore(%run_scoped3A : memref<!tpu.dma_semaphore, #tpu.memory_space<semaphore_mem>>) src(%arg6 : memref<80x128xf32, #tpu.memory_space<vmem>>) dst(%dma_wait3A_39 : memref<80x128xf32, #tpu.memory_space<hbm>>)
        tpu.yield
      }) : () -> ()
    } else {
    }
    %add3A_19 = arith.constant 96 : i32
    %add3A_20 = arith.addi %add3A, %add3A_19 : i32
    %lt3A_21 = arith.constant 125 : i32
    %lt3A_22 = arith.cmpi slt, %add3A_20, %lt3A_21 : i32
    %convert_element_type3A_23 = arith.extui %lt3A_22 : i1 to i32
    %cond3A_24 = arith.constant 0 : i32
    %cond3A_25 = arith.cmpi ne, %convert_element_type3A_23, %cond3A_24 : i32
    scf.if %cond3A_25 {
      %mul3A_26 = arith.constant 80 : i32
      %mul3A_27 = arith.muli %add3A_20, %mul3A_26 : i32
      "tpu.region"() ({
        %run_scoped3A = tpu.sem_alloc : memref<!tpu.dma_semaphore, #tpu.memory_space<semaphore_mem>>
        %dma_start3A_32 = tpu.memref_slice %arg3[%mul3A_27] : memref<10000xi32, #tpu.memory_space<hbm>> -> memref<80xi32, #tpu.memory_space<hbm>>
        %dma_start3A_33 = tpu.memref_slice %arg3[%mul3A_27] : memref<10000xi32, #tpu.memory_space<hbm>> -> memref<80xi32, #tpu.memory_space<hbm>>
        tpu.enqueue_dma source(%dma_start3A_33 : memref<80xi32, #tpu.memory_space<hbm>>) target(%arg5 : memref<80xi32, #tpu.memory_space<vmem>>) target_semaphore(%run_scoped3A : memref<!tpu.dma_semaphore, #tpu.memory_space<semaphore_mem>>)
        %dma_wait3A_34 = tpu.memref_slice %arg3[%mul3A_27] : memref<10000xi32, #tpu.memory_space<hbm>> -> memref<80xi32, #tpu.memory_space<hbm>>
        %dma_wait3A_35 = tpu.memref_slice %arg3[%mul3A_27] : memref<10000xi32, #tpu.memory_space<hbm>> -> memref<80xi32, #tpu.memory_space<hbm>>
        tpu.wait_dma2 semaphore(%run_scoped3A : memref<!tpu.dma_semaphore, #tpu.memory_space<semaphore_mem>>) src(%dma_wait3A_35 : memref<80xi32, #tpu.memory_space<hbm>>) dst(%arg5 : memref<80xi32, #tpu.memory_space<vmem>>)
        tpu.yield
      }) : () -> ()
      %dma_start3A = arith.constant 0 : i32
      %dma_start3A_28 = arith.constant 0 : i32
      %dma_start3A_29 = tpu.memref_slice %arg2[%dma_start3A, %dma_start3A_28] : memref<10000x128xf32, #tpu.memory_space<hbm>> -> memref<10000x128xf32, #tpu.memory_space<hbm>>
      tpu.enqueue_indirect_dma source(%dma_start3A_29 : memref<10000x128xf32, #tpu.memory_space<hbm>>) target(%arg6 : memref<80x128xf32, #tpu.memory_space<vmem>>) offsets(%arg5 : memref<80xi32, #tpu.memory_space<vmem>>) semaphore(%arg7 : memref<!tpu.dma_semaphore, #tpu.memory_space<semaphore_mem>>)
      %dma_wait3A = arith.constant 0 : i32
      %dma_wait3A_30 = arith.constant 0 : i32
      %dma_wait3A_31 = tpu.memref_slice %arg2[%dma_wait3A, %dma_wait3A_30] : memref<10000x128xf32, #tpu.memory_space<hbm>> -> memref<10000x128xf32, #tpu.memory_space<hbm>>
      tpu.wait_indirect_dma semaphore(%arg7 : memref<!tpu.dma_semaphore, #tpu.memory_space<semaphore_mem>>) src(%dma_wait3A_31 : memref<10000x128xf32, #tpu.memory_space<hbm>>) dst(%arg6 : memref<80x128xf32, #tpu.memory_space<vmem>>)
      "tpu.region"() ({
        %run_scoped3A = tpu.sem_alloc : memref<!tpu.dma_semaphore, #tpu.memory_space<semaphore_mem>>
        %dma_start3A_32 = arith.constant 0 : i32
        %dma_start3A_33 = tpu.memref_slice %arg4[%mul3A_27, %dma_start3A_32] : memref<10000x128xf32, #tpu.memory_space<hbm>> -> memref<80x128xf32, #tpu.memory_space<hbm>>
        %dma_start3A_34 = arith.constant 0 : i32
        %dma_start3A_35 = tpu.memref_slice %arg4[%mul3A_27, %dma_start3A_34] : memref<10000x128xf32, #tpu.memory_space<hbm>> -> memref<80x128xf32, #tpu.memory_space<hbm>>
        tpu.enqueue_dma source(%arg6 : memref<80x128xf32, #tpu.memory_space<vmem>>) target(%dma_start3A_35 : memref<80x128xf32, #tpu.memory_space<hbm>>) target_semaphore(%run_scoped3A : memref<!tpu.dma_semaphore, #tpu.memory_space<semaphore_mem>>)
        %dma_wait3A_36 = arith.constant 0 : i32
        %dma_wait3A_37 = tpu.memref_slice %arg4[%mul3A_27, %dma_wait3A_36] : memref<10000x128xf32, #tpu.memory_space<hbm>> -> memref<80x128xf32, #tpu.memory_space<hbm>>
        %dma_wait3A_38 = arith.constant 0 : i32
        %dma_wait3A_39 = tpu.memref_slice %arg4[%mul3A_27, %dma_wait3A_38] : memref<10000x128xf32, #tpu.memory_space<hbm>> -> memref<80x128xf32, #tpu.memory_space<hbm>>
        tpu.wait_dma2 semaphore(%run_scoped3A : memref<!tpu.dma_semaphore, #tpu.memory_space<semaphore_mem>>) src(%arg6 : memref<80x128xf32, #tpu.memory_space<vmem>>) dst(%dma_wait3A_39 : memref<80x128xf32, #tpu.memory_space<hbm>>)
        tpu.yield
      }) : () -> ()
    } else {
    }
    return
  }
}

</mosaic_0001>

<sc_bundles>
// kernel: _emb_gather.3.cloned.1.call-start
scs
__scs_entry_jumppad:
0x0: {  	(pc) =	sbr.rel $0x88, $3  }
0x1: {  	(tag) =	ssettag $0x0;
	lr =	simm.s32 $0x1  }
0x2: {  	[smem:$0x3F9F] =	sst lr;
	_ =	strace $0xD0000000  }
0x3: {  	_ = 	snop  }
0x4: {  	_ = 	snop  }
0x5: {  	_ = 	snop  }
0x6: {  	_ = 	snop  }
0x7: {  	_ = 	snop  }
__scs_overlays_trampoline_lowered:
0x8: {  	[smem:$0x3FAE] =	sst s0  }
0x9: {  	[smem:$0x3FAF] =	sst s1  }
0xa: {  	[smem:$0x3FB0] =	sst s2  }
0xb: {  	[smem:$0x3FB1] =	sst s3  }
0xc: {  	[smem:$0x3FB2] =	sst s4  }
0xd: {  	[smem:$0x3FB3] =	sst s5  }
0xe: {  	[smem:$0x3FB4] =	sst s6  }
0xf: {  	[smem:$0x3FB5] =	sst s7  }
0x10: {  	[smem:$0x3FB6] =	sst s8  }
0x11: {  	[smem:$0x3FB7] =	sst s9;
	s0 =	simm.s32 @!p0 $0x0  }
0x12: {  	s1 =	sld [smem:$0x3F9D];
	s0 =	simm.s32 @p0 $0x1  }
0x13: {  	[smem:$0x3FB8] =	sst s0;
	s0 =	simm.s32 @!p1 $0x0  }
0x14: {  	s2 =	sld [smem:$0x3F9C];
	s0 =	simm.s32 @p1 $0x1  }
0x15: {  	[smem:$0x3FB9] =	sst s0;
	s0 =	simm.s32 @!p2 $0x0  }
0x16: {  	s3 =	sld [smem:$0x3FDB];
	s0 =	simm.s32 @p2 $0x1  }
0x17: {  	s4 =	simm.s32 $0x1BF5;
	[smem:$0x3FBB] =	sst s0  }
0x18: {  	s0 =	sld [smem:$0x3F9E];
	_ =	swait.ge [sflag:s4], $0x0  }
0x19: {  	s7 =	sld [smem:$0x3F9F]  }
0x1a: {  	s8 =	sadd.s32 $0xFFFFE003, lr  }
0x1b: {  	s9 =	sadd.s32 $0xFFFFFEF7, lr;
	s5 =	simm.s32 $0xFFFFFFFF;
	p2 =	slt.u32 s8, $0xFFFFF086  }
0x1c: {  	p1 =	slt.u32 s9, $0xF7A;
	s5 =	simm.s32 @!p2 $0x0  }
0x1d: {  	s5 =	simm.s32 @p1 $0x1;
	p0 =	seq.s32 s7, s2  }
0x1e: {  	s7 =	smul.u32 @!p0 $0xF7A, s2;
	p2 =	seq.s32 @!p0 s5, $0x0  }
0x1f: {  	s9 =	smul.u32 $0xF7A, s1;
	s8 =	simm.s32 @!p0 $0x1BF5;
	p2 =	por !p2, p0  }
0x20: {  	[sflag:s8] =	ssyncset.s32 @!p0 $0xFFFFF086;
	s6 =	sadd.s32 @!p0 s3, s7;
	s7 =	simm.s32 @!p0 $0x108  }
0x21: {  	s3 =	sadd.s32 s3, s9;
	s6 =	sadd.s32 @!p0 $0x88, s6;
	s7 =	simm.s32 @p2 $0x1082  }
0x22: {  	[simem:s7], [sflag:s8] =	dma.local @!p0 [hbm:s6], $0xF7A  }
0x23: {  	s9 =	sor.u32 $0xD0000000, s2;
	s6 =	simm.s32 $0x108;
	_ =	swait.ge @!p0 [sflag:s8], $0x0  }
0x24: {  	s3 =	sadd.s32 $0x88, s3;
	s6 =	simm.s32 @!p1 $0x1082;
	[sflag:s4] =	ssyncset.s32 $0xFFFFF086  }
0x25: {  	[simem:s6], [sflag:s4] =	dma.local [hbm:s3], $0xF7A  }
0x26: {  	[smem:$0x3F9F] =	sst s1;
	(tag) =	ssettag s2;
	_ =	strace s9  }
0x27: {  	s1 =	sld [smem:$0x3FAF]  }
0x28: {  	s2 =	sld [smem:$0x3FB0]  }
0x29: {  	s4 =	sld [smem:$0x3FB2]  }
0x2a: {  	p0 =	seq.s32 s5, $0x0;
	s5 =	sld [smem:$0x3FB3]  }
0x2b: {  	s6 =	sld [smem:$0x3FB4]  }
0x2c: {  	s7 =	sld [smem:$0x3FB5]  }
0x2d: {  	s3 =	simm.s32 $0x108;
	s8 =	sld [smem:$0x3FB6]  }
0x2e: {  	s3 =	simm.s32 @!p0 $0x1082;
	s9 =	sld [smem:$0x3FB7]  }
0x2f: {  	lr =	sadd.s32 s0, s3;
	s0 =	sld [smem:$0x3FAE]  }
0x30: {  	s3 =	sld [smem:$0x3FB1]  }
0x31: {  	[smem:$0x3FBA] =	sst s10  }
0x32: {  	s10 =	sld [smem:$0x3FB8];
	_ =	sdelay $0x3  }
0x33: {  	p0 =	seq.s32 s10, $0x1;
	s10 =	sld [smem:$0x3FBA];
	_ =	sdelay $0x3  }
0x34: {  	[smem:$0x3FBA] =	sst s10  }
0x35: {  	s10 =	sld [smem:$0x3FB9];
	_ =	sdelay $0x3  }
0x36: {  	p1 =	seq.s32 s10, $0x1;
	s10 =	sld [smem:$0x3FBA];
	_ =	sdelay $0x3  }
0x37: {  	[smem:$0x3FBA] =	sst s10  }
0x38: {  	s10 =	sld [smem:$0x3FBB]  }
0x39: {  	_ = 	snop;
	(pc) =	sbr.ind lr, $3  }
0x3a: {  	_ = 	snop  }
0x3b: {  	_ = 	snop  }
0x3c: {  	p2 =	seq.s32 s10, $0x1;
	s10 =	sld [smem:$0x3FBA]  }
0x3d: {  	_ =	shalt  }
0x3e: {  	_ =	shalt  }
0x3f: {  	_ =	shalt  }
0x40: {  	_ =	shalt  }
0x41: {  	_ =	shalt  }
0x42: {  	_ =	shalt  }
0x43: {  	_ =	shalt  }
0x44: {  	_ =	shalt  }
0x45: {  	_ =	shalt  }
0x46: {  	_ =	shalt  }
0x47: {  	_ =	shalt  }
0x48: {  	_ =	shalt  }
0x49: {  	_ =	shalt  }
0x4a: {  	_ =	shalt  }
0x4b: {  	_ =	shalt  }
0x4c: {  	_ =	shalt  }
0x4d: {  	_ =	shalt  }
0x4e: {  	_ =	shalt  }
0x4f: {  	_ =	shalt  }
0x50: {  	_ =	shalt  }
0x51: {  	_ =	shalt  }
0x52: {  	_ =	shalt  }
0x53: {  	_ =	shalt  }
0x54: {  	_ =	shalt  }
0x55: {  	_ =	shalt  }
0x56: {  	_ =	shalt  }
0x57: {  	_ =	shalt  }
0x58: {  	_ =	shalt  }
0x59: {  	_ =	shalt  }
0x5a: {  	_ =	shalt  }
0x5b: {  	_ =	shalt  }
0x5c: {  	_ =	shalt  }
0x5d: {  	_ =	shalt  }
0x5e: {  	_ =	shalt  }
0x5f: {  	_ =	shalt  }
0x60: {  	_ =	shalt  }
0x61: {  	_ =	shalt  }
0x62: {  	_ =	shalt  }
0x63: {  	_ =	shalt  }
0x64: {  	_ =	shalt  }
0x65: {  	_ =	shalt  }
0x66: {  	_ =	shalt  }
0x67: {  	_ =	shalt  }
0x68: {  	_ =	shalt  }
0x69: {  	_ =	shalt  }
0x6a: {  	_ =	shalt  }
0x6b: {  	_ =	shalt  }
0x6c: {  	_ =	shalt  }
0x6d: {  	_ =	shalt  }
0x6e: {  	_ =	shalt  }
0x6f: {  	_ =	shalt  }
0x70: {  	_ =	shalt  }
0x71: {  	_ =	shalt  }
0x72: {  	_ =	shalt  }
0x73: {  	_ =	shalt  }
0x74: {  	_ =	shalt  }
0x75: {  	_ =	shalt  }
0x76: {  	_ =	shalt  }
0x77: {  	_ =	shalt  }
0x78: {  	_ =	shalt  }
0x79: {  	_ =	shalt  }
0x7a: {  	_ =	shalt  }
0x7b: {  	_ =	shalt  }
0x7c: {  	_ =	shalt  }
0x7d: {  	_ =	shalt  }
0x7e: {  	_ =	shalt  }
0x7f: {  	_ =	shalt  }
0x80: {  	_ =	shalt  }
0x81: {  	_ =	shalt  }
0x82: {  	_ =	shalt  }
0x83: {  	_ =	shalt  }
0x84: {  	_ =	shalt  }
0x85: {  	_ =	shalt  }
0x86: {  	_ =	shalt  }
0x87: {  	_ =	shalt  }
.Lfunc_end0:
.L_simem_size_0:
called_computation_lowered:
.L_overlay_start_0:
0x88: {  	s2 =	sld [smem:$0x3FD9]  }
0x89: {  	s3 =	sld [smem:$0x3FFE];
	_ =	sdelay $0x1  }
0x8a: {  	s1 =	srdreg.scid  }
0x8b: {  	s0 =	sand.u32 $0x1, s1  }
0x8c: {  	s18 =	sshll.u32 s0, $0xA;
	s2 =	sadd.s32 s3, s2  }
0x8d: {  	s2 =	sadd.s32 s2, s18  }
0x8e: {  	[smem:$0x3FC6] =	sst s2  }
0x8f: {  	_ = 	snop  }
0x90: {  	s2 =	sld [smem:$0x3FC9]  }
0x91: {  	s19 =	sld [smem:$0x3FC8]  }
0x92: {  	s4 =	sld [smem:$0x3FD0];
	(tm) =	ssettm $0x1  }
0x93: {  	s5 =	sld [smem:$0x3FFB];
	_ =	sdelay $0x3  }
0x94: {  	_ =	strace s5  }
0x95: {  	s5 =	sld [smem:$0x3FFC];
	_ =	sdelay $0x3  }
0x96: {  	_ =	strace s5  }
0x97: {  	s5 =	sld [smem:$0x3FFD];
	_ =	sdelay $0x3  }
0x98: {  	_ =	strace s5  }
0x99: {  	_ =	strace $0x8FFFFFFF  }
0x9a: {  	s20 =	sld [smem:$0x3FDB];
	_ =	sdelay $0x1  }
0x9b: {  	s6 =	simm.s32 $_scs_section_size  }
0x9c: {  	s7 =	simm.s32 $_size__tile_overlayer_lowered;
	s8 =	simm.s32 $_tile_overlayer_lowered  }
0x9d: {  	s23 =	simm.s32 $0x1BFF;
	s22 =	sshll.u32 s8, $0x1;
	s5 =	sadd.s32 s6, s20  }
0x9e: {  	s9 =	simm.s32 $0x0;
	s21 =	sshll.u32 s7, $0x1;
	s7 =	sadd.s32 s22, s5  }
0x9f: {  	[timem:s9], [sflag:s23] =	dma.local [hbm:s7], s21  }
0xa0: {  	_ =	swait.ge [sflag:s23], s21  }
0xa1: {  	s6 =	ssub.s32 $0x0, s21;
	[sflag:s23] =	ssyncset.done $0x0  }
0xa2: {  	[sflag:s23] =	ssyncadd.s32 s6;
	_ =	sdelay $0x1  }
0xa3: {  	s24 =	simm.s32 $0x1B8B  }
0xa4: {  	_ =	swait.ge [sflag:s24], $0x1  }
0xa5: {  	[sflag:s24] =	ssyncset.done $0x0  }
0xa6: {  	s25 =	simm.s32 $0x1B8E;
	[sflag:s24] =	ssyncadd.s32 $0xFFFFFFFF  }
0xa7: {  	s26 =	simm.s32 $execute0_lowered;
	[smem:$0x3FD2] =	sst s25  }
0xa8: {  	s6 =	sshll.u32 s26, $0x1;
	_ =	strace $0x80000046;
	[dreg:$0x1] =	wrdreg $0xFFFFFFFF  }
0xa9: {  	s28 =	simm.s32 $_size_execute0_lowered;
	s5 =	sadd.s32 s5, s6;
	[dreg:$0x0] =	wrdreg $0x0  }
0xaa: {  	s6 =	sshll.u32 s28, $0x1;
	[dreg:$0x2] =	wrdreg s5  }
0xab: {  	[dreg:$0x3] =	wrdreg s6  }
0xac: {  	[dreg:$0x4] =	wrdreg $0xC0  }
0xad: {  	_ =	task [dreg:s9], $0x5FFFF  }
0xae: {  	[dreg:$0x1] =	wrdreg $0xFFFFFFFF  }
0xaf: {  	[dreg:$0x0] =	wrdreg $0x60  }
0xb0: {  	[dreg:$0x2] =	wrdreg s2  }
0xb1: {  	[dreg:$0x3] =	wrdreg s19  }
0xb2: {  	[dreg:$0x4] =	wrdreg s4  }
0xb3: {  	[dreg:$0x5] =	wrdreg $0x9  }
0xb4: {  	_ =	task.clear_ibuf [dreg:s9], $0x6FFFF;
	_ =	strace $0x90000046  }
0xb5: {  	s29 =	simm.s32 $0x9;
	_ =	strace $0x80000048  }
0xb6: {  	_ =	swait.ge [sflag:s29], $0x1  }
0xb7: {  	[sflag:s29] =	ssyncadd.s32 $0xFFFFFFFF  }
0xb8: {  	_ =	strace $0x90000048  }
0xb9: {  	_ =	sfence  }
0xba: {  	s30 =	sld [smem:$0x0];
	_ =	sdelay $0x2  }
0xbb: {  	s31 =	sshll.u32 s1, $0xD;
	s1 =	sshrl.u32 s1, $0x2  }
0xbc: {  	s3 =	sand.u32 $0x4000, s31;
	s1 =	sadd.s32 s1, s30  }
0xbd: {  	s0 =	sor.u32 s3, s0;
	s1 =	sshll.u32 s1, $0x11  }
0xbe: {  	s0 =	sor.u32 s1, s0  }
0xbf: {  	s0 =	sadd.s32 $0x8F2B, s0  }
0xc0: {  	[sflag:s0] =	ssyncadd.remote.s32 $0x1  }
0xc1: {  	_ =	sfence.sel $0xFFFF  }
0xc2: {  	[dreg:$0x0] =	wrdreg $0xFFFFFFFF;
	(pc) =	sbr.abs _section_cstart, $3  }
0xc3: {  	[dreg:$0x1] =	wrdreg $0xFFFFFFFF  }
0xc4: {  	_ =	task.clear_ibuf [dreg:s9], $0x2FFFF;
	_ =	strace $0x9FFFFFFF  }
0xc5: {  	(tm) =	ssettm $0x7FFFFFFF  }
tec
execute0_lowered:
.L_overlay_start_1:
0x0: {  	(tag) =	ssettag $0x1  }
0x1: {  	s0 =	srdreg.scid  }
0x2: {  	s17 =	sand.u32 $0x1, s0  }
0x3: {  	s2 =	rddreg [dreg:$0x0];
	s0 =	stileid.u32;
	s1 =	sshll.u32 s17, $0x4  }
0x4: {  	s14 =	rddreg [dreg:$0x1];
	s15 =	sor.u32 s0, s1  }
0x5: {  	s20 =	rddreg [dreg:$0x2];
	s3 =	simm.s32 $0x0;
	s4 =	smul.u32 $0xA, s15  }
0x6: {  	s5 =	simm.s32 $0x2;
	[smem:$0x7FF] =	sst s3  }
0x7: {  	s1 =	rddreg [dreg:$0x3];
	_ =	strace $0x80000047;
	s4 =	sadd.s32 s14, s4  }
0x8: {  	[tilespmem:s3], [sflag:$0x2] =	stream.linear.gather [hbm4b:s4+s3], $0x50, $0x38;
	[tilespmem:$0x2880] =	vst v63  }
0x9: {  	_ =	swait.ge [sflag:s5], $0x50  }
0xa: {  	s6 =	simm.s32 $0x50;
	[sflag:s5] =	ssyncset.done $0x0  }
0xb: {  	s7 =	simm.s32 $0x80;
	s8 =	simm.s32 $0x1;
	[sflag:s5] =	ssyncadd.s32 $0xFFFFFFB0  }
0xc: {  	[tilespmem:s7], [sflag:$0x1] =	stream.indirect.gather [hbm4b:s2+s6], $0x80, s3, s6, $0xb8;
	[tilespmem:$0x2880] =	vst v63  }
0xd: {  	s9 =	smul.u32 $0x500, s15;
	_ =	swait.ge [sflag:s8], $0x2800  }
0xe: {  	[sflag:s8] =	ssyncset.done $0x0  }
0xf: {  	s11 =	sor.u32 $0x20, s15;
	s9 =	sadd.s32 s20, s9;
	[sflag:s8] =	ssyncadd.s32 $0xFFFFD800  }
0x10: {  	[hbm4b:s9+s3] =	stream.linear.scatter [tilespmem:s7], [sflag:$0x2], $0x2800, $0x38;
	[tilespmem:$0x2880] =	vst v63  }
0x11: {  	s10 =	smul.u32 $0xA, s11;
	_ =	swait.ge [sflag:s5], $0x2800  }
0x12: {  	[sflag:s5] =	ssyncset.done $0x0  }
0x13: {  	s10 =	sadd.s32 s14, s10;
	[sflag:s5] =	ssyncadd.s32 $0xFFFFD800  }
0x14: {  	[tilespmem:s3], [sflag:$0x2] =	stream.linear.gather [hbm4b:s10+s3], $0x50, $0x38;
	[tilespmem:$0x2880] =	vst v63  }
0x15: {  	_ =	swait.ge [sflag:s5], $0x50  }
0x16: {  	[sflag:s5] =	ssyncset.done $0x0  }
0x17: {  	[sflag:s5] =	ssyncadd.s32 $0xFFFFFFB0  }
0x18: {  	[tilespmem:s7], [sflag:$0x1] =	stream.indirect.gather [hbm4b:s2+s6], $0x80, s3, s6, $0xb8;
	[tilespmem:$0x2880] =	vst v63  }
0x19: {  	s11 =	smul.u32 $0x500, s11;
	_ =	swait.ge [sflag:s8], $0x2800  }
0x1a: {  	[sflag:s8] =	ssyncset.done $0x0  }
0x1b: {  	s13 =	sor.u32 $0x40, s15;
	s11 =	sadd.s32 s20, s11;
	[sflag:s8] =	ssyncadd.s32 $0xFFFFD800  }
0x1c: {  	[hbm4b:s11+s3] =	stream.linear.scatter [tilespmem:s7], [sflag:$0x2], $0x2800, $0x38;
	[tilespmem:$0x2880] =	vst v63  }
0x1d: {  	s12 =	smul.u32 $0xA, s13;
	_ =	swait.ge [sflag:s5], $0x2800  }
0x1e: {  	[sflag:s5] =	ssyncset.done $0x0  }
0x1f: {  	s12 =	sadd.s32 s14, s12;
	[sflag:s5] =	ssyncadd.s32 $0xFFFFD800  }
0x20: {  	[tilespmem:s3], [sflag:$0x2] =	stream.linear.gather [hbm4b:s12+s3], $0x50, $0x38;
	[tilespmem:$0x2880] =	vst v63  }
0x21: {  	_ =	swait.ge [sflag:s5], $0x50  }
0x22: {  	[sflag:s5] =	ssyncset.done $0x0  }
0x23: {  	[sflag:s5] =	ssyncadd.s32 $0xFFFFFFB0  }
0x24: {  	[tilespmem:s7], [sflag:$0x1] =	stream.indirect.gather [hbm4b:s2+s6], $0x80, s3, s6, $0xb8;
	[tilespmem:$0x2880] =	vst v63  }
0x25: {  	s22 =	ssub.s32 $0x2, s17;
	s13 =	smul.u32 $0x500, s13;
	_ =	swait.ge [sflag:s8], $0x2800  }
0x26: {  	s23 =	sshrl.u32 s22, $0x1;
	s21 =	sor.u32 $0x60, s15;
	[sflag:s8] =	ssyncset.done $0x0  }
0x27: {  	p0 =	sgt.u32 s15, $0x1C;
	s13 =	sadd.s32 s20, s13;
	[sflag:s8] =	ssyncadd.s32 $0xFFFFD800  }
0x28: {  	[hbm4b:s13+s3] =	stream.linear.scatter [tilespmem:s7], [sflag:$0x2], $0x2800, $0x38;
	[tilespmem:$0x2880] =	vst v63  }
0x29: {  	s22 =	ssub.s32 s22, s23;
	s16 =	smul.u32 $0xA, s21;
	_ =	swait.ge [sflag:s5], $0x2800  }
0x2a: {  	s15 =	simm.s32 @!p0 $0x2;
	s17 =	simm.s32 @!p0 $0x1;
	[sflag:s5] =	ssyncset.done $0x0  }
0x2b: {  	s14 =	sadd.s32 s14, s16;
	s16 =	simm.s32 @!p0 $0x0;
	[sflag:s5] =	ssyncadd.s32 $0xFFFFD800  }
0x2c: {  	[tilespmem:s16], [sflag:$0x2] =	stream.linear.gather @!p0 [hbm4b:s14+s16], $0x50, $0x38;
	[tilespmem:$0x2880] =	vst v63  }
0x2d: {  	s18 =	simm.s32 @!p0 $0x50;
	s21 =	smul.u32 $0x500, s21;
	_ =	swait.ge @!p0 [sflag:s15], $0x50  }
0x2e: {  	s19 =	simm.s32 @!p0 $0x80;
	s22 =	smax.u32 s22, $0x1;
	[sflag:s15] =	ssyncset.done @!p0 $0x0  }
0x2f: {  	s20 =	sadd.s32 s20, s21;
	s21 =	sadd.s32 $0xFFFFFFFF, s22;
	[sflag:s15] =	ssyncadd.s32 @!p0 $0xFFFFFFB0  }
0x30: {  	[tilespmem:s19], [sflag:$0x1] =	stream.indirect.gather @!p0 [hbm4b:s2+s18], $0x80, s16, s18, $0xb8;
	[tilespmem:$0x2880] =	vst v63  }
0x31: {  	p1 =	sne.s32 s21, $0x0;
	_ =	swait.ge @!p0 [sflag:s17], $0x2800  }
.Ltmp0:
0x32: {  	[sflag:s17] =	ssyncset.done @!p0 $0x0;
	(pc) =	sbr.rel @!p1 .LBB2_2-.Ltmp0, $4  }
0x33: {  	[sflag:s17] =	ssyncadd.s32 @!p0 $0xFFFFD800  }
0x34: {  	[hbm4b:s20+s16] =	stream.linear.scatter @!p0 [tilespmem:s19], [sflag:$0x2], $0x2800, $0x38;
	[tilespmem:$0x2880] =	vst v63  }
0x35: {  	_ =	swait.ge @!p0 [sflag:s15], $0x2800  }
0x36: {  	[sflag:s15] =	ssyncset.done @!p0 $0x0  }
.LBB2_1:
0x37: {  	s21 =	sadd.s32 $0xFFFFFFFF, s21;
	[sflag:s15] =	ssyncadd.s32 @!p0 $0xFFFFD800  }
0x38: {  	[tilespmem:s3], [sflag:$0x2] =	stream.linear.gather [hbm4b:s4+s3], $0x50, $0x38;
	[tilespmem:$0x2880] =	vst v63  }
0x39: {  	p1 =	sne.s32 s21, $0x0;
	_ =	swait.ge [sflag:s5], $0x50  }
0x3a: {  	[sflag:s5] =	ssyncset.done $0x0  }
0x3b: {  	[sflag:s5] =	ssyncadd.s32 $0xFFFFFFB0  }
0x3c: {  	[tilespmem:s7], [sflag:$0x1] =	stream.indirect.gather [hbm4b:s2+s6], $0x80, s3, s6, $0xb8;
	[tilespmem:$0x2880] =	vst v63  }
0x3d: {  	_ =	swait.ge [sflag:s8], $0x2800  }
0x3e: {  	[sflag:s8] =	ssyncset.done $0x0  }
0x3f: {  	[sflag:s8] =	ssyncadd.s32 $0xFFFFD800  }
0x40: {  	[hbm4b:s9+s3] =	stream.linear.scatter [tilespmem:s7], [sflag:$0x2], $0x2800, $0x38;
	[tilespmem:$0x2880] =	vst v63  }
0x41: {  	_ =	swait.ge [sflag:s5], $0x2800  }
0x42: {  	[sflag:s5] =	ssyncset.done $0x0  }
0x43: {  	[sflag:s5] =	ssyncadd.s32 $0xFFFFD800  }
0x44: {  	[tilespmem:s3], [sflag:$0x2] =	stream.linear.gather [hbm4b:s10+s3], $0x50, $0x38;
	[tilespmem:$0x2880] =	vst v63  }
0x45: {  	_ =	swait.ge [sflag:s5], $0x50  }
0x46: {  	[sflag:s5] =	ssyncset.done $0x0  }
0x47: {  	[sflag:s5] =	ssyncadd.s32 $0xFFFFFFB0  }
0x48: {  	[tilespmem:s7], [sflag:$0x1] =	stream.indirect.gather [hbm4b:s2+s6], $0x80, s3, s6, $0xb8;
	[tilespmem:$0x2880] =	vst v63  }
0x49: {  	_ =	swait.ge [sflag:s8], $0x2800  }
0x4a: {  	[sflag:s8] =	ssyncset.done $0x0  }
0x4b: {  	[sflag:s8] =	ssyncadd.s32 $0xFFFFD800  }
0x4c: {  	[hbm4b:s11+s3] =	stream.linear.scatter [tilespmem:s7], [sflag:$0x2], $0x2800, $0x38;
	[tilespmem:$0x2880] =	vst v63  }
0x4d: {  	_ =	swait.ge [sflag:s5], $0x2800  }
0x4e: {  	[sflag:s5] =	ssyncset.done $0x0  }
0x4f: {  	[sflag:s5] =	ssyncadd.s32 $0xFFFFD800  }
0x50: {  	[tilespmem:s3], [sflag:$0x2] =	stream.linear.gather [hbm4b:s12+s3], $0x50, $0x38;
	[tilespmem:$0x2880] =	vst v63  }
0x51: {  	_ =	swait.ge [sflag:s5], $0x50  }
0x52: {  	[sflag:s5] =	ssyncset.done $0x0  }
0x53: {  	[sflag:s5] =	ssyncadd.s32 $0xFFFFFFB0  }
0x54: {  	[tilespmem:s7], [sflag:$0x1] =	stream.indirect.gather [hbm4b:s2+s6], $0x80, s3, s6, $0xb8;
	[tilespmem:$0x2880] =	vst v63  }
0x55: {  	_ =	swait.ge [sflag:s8], $0x2800  }
0x56: {  	[sflag:s8] =	ssyncset.done $0x0  }
0x57: {  	[sflag:s8] =	ssyncadd.s32 $0xFFFFD800  }
0x58: {  	[hbm4b:s13+s3] =	stream.linear.scatter [tilespmem:s7], [sflag:$0x2], $0x2800, $0x38;
	[tilespmem:$0x2880] =	vst v63  }
0x59: {  	_ =	swait.ge [sflag:s5], $0x2800  }
0x5a: {  	[sflag:s5] =	ssyncset.done $0x0  }
0x5b: {  	[sflag:s5] =	ssyncadd.s32 $0xFFFFD800  }
0x5c: {  	[tilespmem:s16], [sflag:$0x2] =	stream.linear.gather @!p0 [hbm4b:s14+s16], $0x50, $0x38;
	[tilespmem:$0x2880] =	vst v63  }
0x5d: {  	_ =	swait.ge @!p0 [sflag:s15], $0x50  }
0x5e: {  	[sflag:s15] =	ssyncset.done @!p0 $0x0  }
0x5f: {  	[sflag:s15] =	ssyncadd.s32 @!p0 $0xFFFFFFB0  }
0x60: {  	[tilespmem:s19], [sflag:$0x1] =	stream.indirect.gather @!p0 [hbm4b:s2+s18], $0x80, s16, s18, $0xb8;
	[tilespmem:$0x2880] =	vst v63  }
0x61: {  	_ =	swait.ge @!p0 [sflag:s17], $0x2800  }
.Ltmp1:
0x62: {  	[sflag:s17] =	ssyncset.done @!p0 $0x0;
	(pc) =	sbr.rel @p1 .LBB2_1-.Ltmp1, $4  }
0x63: {  	[sflag:s17] =	ssyncadd.s32 @!p0 $0xFFFFD800  }
0x64: {  	[hbm4b:s20+s16] =	stream.linear.scatter @!p0 [tilespmem:s19], [sflag:$0x2], $0x2800, $0x38;
	[tilespmem:$0x2880] =	vst v63  }
0x65: {  	_ =	swait.ge @!p0 [sflag:s15], $0x2800  }
0x66: {  	[sflag:s15] =	ssyncset.done @!p0 $0x0  }
.LBB2_2:
0x67: {  	[sflag:s15] =	ssyncadd.s32 @!p0 $0xFFFFD800  }
0x68: {  	_ =	sfence.sel $0x180000  }
0x69: {  	[bflag:$0x0] =	sbarrier.arrive $0xFFFF  }
0x6a: {  	p0 =	sne.s32 s0, $0x0;
	_ =	strace $0x90000047  }
0x6b: {  	s0 =	sadd.s32 @!p0 $0x100000, s1;
	[bflag:$0x2] =	sbarrier.arrive $0xFFFF  }
0x6c: {  	[sflag:s0] =	ssyncadd.tile.s32 @!p0 $0x1;
	_ =	shalt  }
.Lfunc_end2:
_tile_overlayer_lowered:
.L_overlay_start_2:
0x6d: {  	(tag) =	ssettag $0x2  }
0x6e: {  	s0 =	rddreg [dreg:$0x0];
	s2 =	stileid.u32  }
0x6f: {  	s1 =	rddreg [dreg:$0x1];
	p0 =	sne.s32 s2, $0x0  }
0x70: {  	s3 =	rddreg [dreg:$0x2];
	[bflag:$0x3] =	sbarrier.arrive $0xFFFF;
	s2 =	simm.s32 @!p0 $0x1C02  }
0x71: {  	[timem:s3], [sflag:s2] =	dma.local @!p0 [hbm:s0], s1  }
0x72: {  	s0 =	simm.s32 @!p0 $0x2  }
0x73: {  	_ =	swait.ge @!p0 [sflag:s0], s1  }
0x74: {  	s1 =	ssub.s32 @!p0 $0x0, s1;
	[sflag:s0] =	ssyncset.done @!p0 $0x0  }
0x75: {  	[sflag:s0] =	ssyncadd.s32 @!p0 s1  }
0x76: {  	[bflag:$0x3] =	sbarrier.arrive $0xFFFF  }
0x77: {  	_ =	shalt  }

</sc_bundles>
